<compile_context>
chip_gen: v7x
topology: tpu7x:2x2x1
jax: 0.10.2.dev20260603
libtpu: 0.0.44.dev20260713+nightly
codegen_flags: <defaults>
</compile_context>

<pallas_src>
import numpy as np
import jax
import jax.numpy as jnp
from jax.experimental import pallas as pl

_CROP_H = 7
_CROP_W = 7
_SCALE = 0.25
_CS = _CROP_H * _CROP_W


def _roialign_block(rois_ref, f_ref, v_ref, jf_ref, if_ref, out_ref):
    H_1 = 199.0
    W_1 = 199.0
    r = rois_ref[...]
    x0 = r[:, 1:2] * _SCALE / W_1
    y0 = r[:, 2:3] * _SCALE / H_1
    x1 = r[:, 3:4] * _SCALE / W_1
    y1 = r[:, 4:5] * _SCALE / H_1

    sy = (y1 - y0) * H_1 / (_CROP_H - 1)
    sx = (x1 - x0) * W_1 / (_CROP_W - 1)

    jf = jf_ref[...]
    i_f = if_ref[...]

    ys = y0 * H_1 + i_f * sy
    xs = x0 * W_1 + jf * sx

    valid = jnp.minimum(ys, xs) >= 0.0
    ly = jnp.maximum(ys, 0.0)
    lx = jnp.maximum(xs, 0.0)

    f_top = f_ref[0, :, 0, :]
    f_bot = f_ref[0, :, 1, :]
    c00 = f_top[:, 0:1]
    c01 = f_top[:, 1:2]
    c10 = f_bot[:, 0:1]
    c11 = f_bot[:, 1:2]

    v = v_ref[...]
    dn = (((0,), (0,)), ((), ()))
    a = jax.lax.dot_general(c00, v, dn, preferred_element_type=jnp.float32)
    b = jax.lax.dot_general(c01 - c00, v, dn, preferred_element_type=jnp.float32)
    d = jax.lax.dot_general(c10, v, dn, preferred_element_type=jnp.float32)
    e = jax.lax.dot_general(c11 - c10, v, dn, preferred_element_type=jnp.float32)

    top = a + b * lx
    bot = d + e * lx
    val = top + (bot - top) * ly
    out_ref[...] = jnp.where(valid, val, 0.0)


def kernel(features, rois):
    N = rois.shape[0]
    C = features.shape[1]
    cols = C * _CS

    v_sel = jnp.repeat(jnp.eye(C, dtype=jnp.float32), _CS, axis=1)
    t = np.arange(cols)
    jf = jnp.asarray((t % _CROP_W).astype(np.float32)[None, :])
    if_ = jnp.asarray(((t // _CROP_W) % _CROP_H).astype(np.float32)[None, :])

    bn = 512
    grid = (pl.cdiv(N, bn),)
    out = pl.pallas_call(
        _roialign_block,
        grid=grid,
        in_specs=[
            pl.BlockSpec((bn, 5), lambda i: (i, 0)),
            pl.BlockSpec((1, C, 8, 128), lambda i: (0, 0, 0, 0)),
            pl.BlockSpec((C, cols), lambda i: (0, 0)),
            pl.BlockSpec((1, cols), lambda i: (0, 0)),
            pl.BlockSpec((1, cols), lambda i: (0, 0)),
        ],
        out_specs=pl.BlockSpec((bn, cols), lambda i: (i, 0)),
        out_shape=jax.ShapeDtypeStruct((N, cols), jnp.float32),
    )(rois, features, v_sel, jf, if_)
    return out.reshape(N, C, _CROP_H, _CROP_W)

# --- scband reference (transcript-rebuilt; emitter-appended) ---
"""Pipeline reference for scband-ro-ialign-16527034155028 (READ-ONLY COPY).

The authoritative reference and input builder live on the scoring server;
editing this copy changes nothing except your own understanding.
"""

import jax, jax.numpy as jnp
import numpy as np

CROP_H = 7
CROP_W = 7
SPATIAL_SCALE = 0.25


def setup_inputs(seed: int = 0) -> dict:
    key = jax.random.key(seed)
    k1, k2 = jax.random.split(key)
    features = jax.random.normal(k1, (1, 64, 200, 200), dtype=jnp.float32)
    rois = jax.random.uniform(k2, (5000, 5), dtype=jnp.float32)
    return {"features": features, "rois": rois}


def _crop_and_resize(features, boxes, box_ids, crop_h, crop_w, extrapolation_value=0.0):
    # TF-style crop_and_resize on NCHW features; boxes are (y0, x0, y1, x1) normalized by (dim-1).
    B, C, H, W = features.shape
    N = boxes.shape[0]
    y0 = boxes[:, 0]
    x0 = boxes[:, 1]
    y1 = boxes[:, 2]
    x1 = boxes[:, 3]
    if crop_h > 1:
        ys = y0[:, None] * (H - 1) + jnp.arange(crop_h, dtype=jnp.float32)[None, :] * ((y1 - y0) * (H - 1) / (crop_h - 1))[:, None]
    else:
        ys = (0.5 * (y0 + y1) * (H - 1))[:, None]
    if crop_w > 1:
        xs = x0[:, None] * (W - 1) + jnp.arange(crop_w, dtype=jnp.float32)[None, :] * ((x1 - x0) * (W - 1) / (crop_w - 1))[:, None]
    else:
        xs = (0.5 * (x0 + x1) * (W - 1))[:, None]
    valid_y = (ys >= 0.0) & (ys <= H - 1)
    valid_x = (xs >= 0.0) & (xs <= W - 1)
    ys_c = jnp.clip(ys, 0.0, H - 1)
    xs_c = jnp.clip(xs, 0.0, W - 1)
    ty = jnp.floor(ys_c).astype(jnp.int32)
    by = jnp.minimum(ty + 1, H - 1)
    ly = ys_c - ty.astype(jnp.float32)
    tx = jnp.floor(xs_c).astype(jnp.int32)
    bx = jnp.minimum(tx + 1, W - 1)
    lx = xs_c - tx.astype(jnp.float32)
    featf = jnp.transpose(features, (0, 2, 3, 1)).reshape(B * H * W, C)
    base = box_ids.astype(jnp.int32) * (H * W)

    def gather(yi, xi):
        idx = base[:, None, None] + yi[:, :, None] * W + xi[:, None, :]
        return jnp.take(featf, idx.reshape(-1), axis=0).reshape(N, crop_h, crop_w, C)

    v00 = gather(ty, tx)
    v01 = gather(ty, bx)
    v10 = gather(by, tx)
    v11 = gather(by, bx)
    ly_ = ly[:, :, None, None]
    lx_ = lx[:, None, :, None]
    top = v00 + (v01 - v00) * lx_
    bot = v10 + (v11 - v10) * lx_
    val = top + (bot - top) * ly_
    valid = (valid_y[:, :, None] & valid_x[:, None, :])[..., None]
    out = jnp.where(valid, val, jnp.float32(extrapolation_value))
    return jnp.transpose(out, (0, 3, 1, 2))


def reference(features, rois):
    H, W = features.shape[2], features.shape[3]
    ids = rois[:, 0].astype(jnp.int32)
    x0 = rois[:, 1] * SPATIAL_SCALE / (W - 1)
    y0 = rois[:, 2] * SPATIAL_SCALE / (H - 1)
    x1 = rois[:, 3] * SPATIAL_SCALE / (W - 1)
    y1 = rois[:, 4] * SPATIAL_SCALE / (H - 1)
    boxes = jnp.stack([y0, x0, y1, x1], axis=1)
    boxes = jax.lax.stop_gradient(boxes)
    ids = jax.lax.stop_gradient(ids)
    return _crop_and_resize(features, boxes, ids, CROP_H, CROP_W, 0.0)

if __name__ == "__main__":
    import jax
    _d = setup_inputs()
    print(jax.jit(kernel)(*tuple(_d.values())))

</pallas_src>

<mosaic_0001>
module attributes {stable_mosaic.version = 14 : i64} {
  func.func @_roialign_block(%arg0: i32, %arg1: memref<512x5xf32, #tpu.memory_space<vmem>>, %arg2: memref<1x64x8x128xf32, #tpu.memory_space<vmem>>, %arg3: memref<64x3136xf32, #tpu.memory_space<vmem>>, %arg4: memref<1x3136xf32, #tpu.memory_space<vmem>>, %arg5: memref<1x3136xf32, #tpu.memory_space<vmem>>, %arg6: memref<512x3136xf32, #tpu.memory_space<vmem>>) attributes {dimension_semantics = [#tpu.dimension_semantics<arbitrary>], iteration_bounds = array<i64: 10>, scalar_prefetch = 0 : i64, scratch_operands = 0 : i64, tpu.core_type = #tpu.core_type<tc>, window_params = [{transform_indices = @transform_0, window_bounds = array<i64: 512, 5>}, {transform_indices = @transform_1, window_bounds = array<i64: 1, 64, 8, 128>}, {pipeline_mode = #tpu.pipeline_mode<synchronous>, transform_indices = @transform_2, window_bounds = array<i64: 64, 3136>}, {pipeline_mode = #tpu.pipeline_mode<synchronous>, transform_indices = @transform_3, window_bounds = array<i64: 1, 3136>}, {pipeline_mode = #tpu.pipeline_mode<synchronous>, transform_indices = @transform_4, window_bounds = array<i64: 1, 3136>}, {transform_indices = @transform_5, window_bounds = array<i64: 512, 3136>}]} {
    %get3A = arith.constant 0 : index
    %get3A_0 = arith.constant 0 : index
    %get3A_1 = vector.load %arg1[%get3A, %get3A_0] : memref<512x5xf32, #tpu.memory_space<vmem>>, vector<512x5xf32>
    %slice3A = vector.extract_strided_slice %get3A_1 {offsets = [0, 1], sizes = [512, 1], strides = [1, 1]} : vector<512x5xf32> to vector<512x1xf32>
    %mul3A = arith.constant 2.500000e-01 : f32
    %mul3A_2 = vector.broadcast %mul3A : f32 to vector<512x1xf32>
    %mul3A_3 = arith.mulf %slice3A, %mul3A_2 : vector<512x1xf32>
    %div3A = arith.constant 1.990000e+02 : f32
    %div3A_4 = vector.broadcast %div3A : f32 to vector<512x1xf32>
    %div3A_5 = arith.divf %mul3A_3, %div3A_4 : vector<512x1xf32>
    %slice3A_6 = vector.extract_strided_slice %get3A_1 {offsets = [0, 2], sizes = [512, 1], strides = [1, 1]} : vector<512x5xf32> to vector<512x1xf32>
    %mul3A_7 = arith.constant 2.500000e-01 : f32
    %mul3A_8 = vector.broadcast %mul3A_7 : f32 to vector<512x1xf32>
    %mul3A_9 = arith.mulf %slice3A_6, %mul3A_8 : vector<512x1xf32>
    %div3A_10 = arith.constant 1.990000e+02 : f32
    %div3A_11 = vector.broadcast %div3A_10 : f32 to vector<512x1xf32>
    %div3A_12 = arith.divf %mul3A_9, %div3A_11 : vector<512x1xf32>
    %slice3A_13 = vector.extract_strided_slice %get3A_1 {offsets = [0, 3], sizes = [512, 1], strides = [1, 1]} : vector<512x5xf32> to vector<512x1xf32>
    %mul3A_14 = arith.constant 2.500000e-01 : f32
    %mul3A_15 = vector.broadcast %mul3A_14 : f32 to vector<512x1xf32>
    %mul3A_16 = arith.mulf %slice3A_13, %mul3A_15 : vector<512x1xf32>
    %div3A_17 = arith.constant 1.990000e+02 : f32
    %div3A_18 = vector.broadcast %div3A_17 : f32 to vector<512x1xf32>
    %div3A_19 = arith.divf %mul3A_16, %div3A_18 : vector<512x1xf32>
    %slice3A_20 = vector.extract_strided_slice %get3A_1 {offsets = [0, 4], sizes = [512, 1], strides = [1, 1]} : vector<512x5xf32> to vector<512x1xf32>
    %mul3A_21 = arith.constant 2.500000e-01 : f32
    %mul3A_22 = vector.broadcast %mul3A_21 : f32 to vector<512x1xf32>
    %mul3A_23 = arith.mulf %slice3A_20, %mul3A_22 : vector<512x1xf32>
    %div3A_24 = arith.constant 1.990000e+02 : f32
    %div3A_25 = vector.broadcast %div3A_24 : f32 to vector<512x1xf32>
    %div3A_26 = arith.divf %mul3A_23, %div3A_25 : vector<512x1xf32>
    %sub3A = arith.subf %div3A_26, %div3A_12 : vector<512x1xf32>
    %mul3A_27 = arith.constant 1.990000e+02 : f32
    %mul3A_28 = vector.broadcast %mul3A_27 : f32 to vector<512x1xf32>
    %mul3A_29 = arith.mulf %sub3A, %mul3A_28 : vector<512x1xf32>
    %div3A_30 = arith.constant 6.000000e+00 : f32
    %div3A_31 = vector.broadcast %div3A_30 : f32 to vector<512x1xf32>
    %div3A_32 = arith.divf %mul3A_29, %div3A_31 : vector<512x1xf32>
    %sub3A_33 = arith.subf %div3A_19, %div3A_5 : vector<512x1xf32>
    %mul3A_34 = arith.constant 1.990000e+02 : f32
    %mul3A_35 = vector.broadcast %mul3A_34 : f32 to vector<512x1xf32>
    %mul3A_36 = arith.mulf %sub3A_33, %mul3A_35 : vector<512x1xf32>
    %div3A_37 = arith.constant 6.000000e+00 : f32
    %div3A_38 = vector.broadcast %div3A_37 : f32 to vector<512x1xf32>
    %div3A_39 = arith.divf %mul3A_36, %div3A_38 : vector<512x1xf32>
    %get3A_40 = arith.constant 0 : index
    %get3A_41 = arith.constant 0 : index
    %get3A_42 = vector.load %arg4[%get3A_40, %get3A_41] : memref<1x3136xf32, #tpu.memory_space<vmem>>, vector<1x3136xf32>
    %get3A_43 = arith.constant 0 : index
    %get3A_44 = arith.constant 0 : index
    %get3A_45 = vector.load %arg5[%get3A_43, %get3A_44] : memref<1x3136xf32, #tpu.memory_space<vmem>>, vector<1x3136xf32>
    %mul3A_46 = arith.constant 1.990000e+02 : f32
    %mul3A_47 = vector.broadcast %mul3A_46 : f32 to vector<512x1xf32>
    %mul3A_48 = arith.mulf %div3A_12, %mul3A_47 : vector<512x1xf32>
    %mul3A_49 = vector.broadcast %get3A_45 : vector<1x3136xf32> to vector<512x3136xf32>
    %mul3A_50 = vector.broadcast %div3A_32 : vector<512x1xf32> to vector<512x3136xf32>
    %mul3A_51 = arith.mulf %mul3A_49, %mul3A_50 : vector<512x3136xf32>
    %add3A = vector.broadcast %mul3A_48 : vector<512x1xf32> to vector<512x3136xf32>
    %add3A_52 = arith.addf %add3A, %mul3A_51 : vector<512x3136xf32>
    %mul3A_53 = arith.constant 1.990000e+02 : f32
    %mul3A_54 = vector.broadcast %mul3A_53 : f32 to vector<512x1xf32>
    %mul3A_55 = arith.mulf %div3A_5, %mul3A_54 : vector<512x1xf32>
    %mul3A_56 = vector.broadcast %get3A_42 : vector<1x3136xf32> to vector<512x3136xf32>
    %mul3A_57 = vector.broadcast %div3A_39 : vector<512x1xf32> to vector<512x3136xf32>
    %mul3A_58 = arith.mulf %mul3A_56, %mul3A_57 : vector<512x3136xf32>
    %add3A_59 = vector.broadcast %mul3A_55 : vector<512x1xf32> to vector<512x3136xf32>
    %add3A_60 = arith.addf %add3A_59, %mul3A_58 : vector<512x3136xf32>
    %min3A = arith.minimumf %add3A_52, %add3A_60 : vector<512x3136xf32>
    %ge3A = arith.constant 0.000000e+00 : f32
    %ge3A_61 = vector.broadcast %ge3A : f32 to vector<512x3136xf32>
    %ge3A_62 = arith.cmpf oge, %min3A, %ge3A_61 : vector<512x3136xf32>
    %max3A = arith.constant 0.000000e+00 : f32
    %max3A_63 = vector.broadcast %max3A : f32 to vector<512x3136xf32>
    %max3A_64 = arith.maximumf %add3A_52, %max3A_63 : vector<512x3136xf32>
    %max3A_65 = arith.constant 0.000000e+00 : f32
    %max3A_66 = vector.broadcast %max3A_65 : f32 to vector<512x3136xf32>
    %max3A_67 = arith.maximumf %add3A_60, %max3A_66 : vector<512x3136xf32>
    %get3A_68 = arith.constant 0 : index
    %get3A_69 = arith.constant 0 : index
    %get3A_70 = arith.constant 0 : index
    %get3A_71 = arith.constant 0 : index
    %get3A_72 = vector.load %arg2[%get3A_68, %get3A_69, %get3A_70, %get3A_71] : memref<1x64x8x128xf32, #tpu.memory_space<vmem>>, vector<1x64x1x128xf32>
    %get3A_73 = vector.shape_cast %get3A_72 : vector<1x64x1x128xf32> to vector<64x128xf32>
    %get3A_74 = arith.constant 0 : index
    %get3A_75 = arith.constant 0 : index
    %get3A_76 = arith.constant 1 : index
    %get3A_77 = arith.constant 0 : index
    %get3A_78 = vector.load %arg2[%get3A_74, %get3A_75, %get3A_76, %get3A_77] : memref<1x64x8x128xf32, #tpu.memory_space<vmem>>, vector<1x64x1x128xf32>
    %get3A_79 = vector.shape_cast %get3A_78 : vector<1x64x1x128xf32> to vector<64x128xf32>
    %slice3A_80 = vector.extract_strided_slice %get3A_73 {offsets = [0, 0], sizes = [64, 1], strides = [1, 1]} : vector<64x128xf32> to vector<64x1xf32>
    %slice3A_81 = vector.extract_strided_slice %get3A_73 {offsets = [0, 1], sizes = [64, 1], strides = [1, 1]} : vector<64x128xf32> to vector<64x1xf32>
    %slice3A_82 = vector.extract_strided_slice %get3A_79 {offsets = [0, 0], sizes = [64, 1], strides = [1, 1]} : vector<64x128xf32> to vector<64x1xf32>
    %slice3A_83 = vector.extract_strided_slice %get3A_79 {offsets = [0, 1], sizes = [64, 1], strides = [1, 1]} : vector<64x128xf32> to vector<64x1xf32>
    %get3A_84 = arith.constant 0 : index
    %get3A_85 = arith.constant 0 : index
    %get3A_86 = vector.load %arg3[%get3A_84, %get3A_85] : memref<64x3136xf32, #tpu.memory_space<vmem>>, vector<64x3136xf32>
    %dot_general3A = arith.constant dense<0.000000e+00> : vector<1x3136xf32>
    %dot_general3A_87 = tpu.matmul %slice3A_80, %get3A_86, %dot_general3A {dimension_numbers = #tpu.dot_dimension_numbers<[0], [0], [1], [1], [0, 1, 1, 1], [], []>, transpose_lhs_hint = false} : vector<64x1xf32>, vector<64x3136xf32>, vector<1x3136xf32> -> vector<1x3136xf32>
    %sub3A_88 = arith.subf %slice3A_81, %slice3A_80 : vector<64x1xf32>
    %dot_general3A_89 = arith.constant dense<0.000000e+00> : vector<1x3136xf32>
    %dot_general3A_90 = tpu.matmul %sub3A_88, %get3A_86, %dot_general3A_89 {dimension_numbers = #tpu.dot_dimension_numbers<[0], [0], [1], [1], [0, 1, 1, 1], [], []>, transpose_lhs_hint = false} : vector<64x1xf32>, vector<64x3136xf32>, vector<1x3136xf32> -> vector<1x3136xf32>
    %dot_general3A_91 = arith.constant dense<0.000000e+00> : vector<1x3136xf32>
    %dot_general3A_92 = tpu.matmul %slice3A_82, %get3A_86, %dot_general3A_91 {dimension_numbers = #tpu.dot_dimension_numbers<[0], [0], [1], [1], [0, 1, 1, 1], [], []>, transpose_lhs_hint = false} : vector<64x1xf32>, vector<64x3136xf32>, vector<1x3136xf32> -> vector<1x3136xf32>
    %sub3A_93 = arith.subf %slice3A_83, %slice3A_82 : vector<64x1xf32>
    %dot_general3A_94 = arith.constant dense<0.000000e+00> : vector<1x3136xf32>
    %dot_general3A_95 = tpu.matmul %sub3A_93, %get3A_86, %dot_general3A_94 {dimension_numbers = #tpu.dot_dimension_numbers<[0], [0], [1], [1], [0, 1, 1, 1], [], []>, transpose_lhs_hint = false} : vector<64x1xf32>, vector<64x3136xf32>, vector<1x3136xf32> -> vector<1x3136xf32>
    %mul3A_96 = vector.broadcast %dot_general3A_90 : vector<1x3136xf32> to vector<512x3136xf32>
    %mul3A_97 = arith.mulf %mul3A_96, %max3A_67 : vector<512x3136xf32>
    %add3A_98 = vector.broadcast %dot_general3A_87 : vector<1x3136xf32> to vector<512x3136xf32>
    %add3A_99 = arith.addf %add3A_98, %mul3A_97 : vector<512x3136xf32>
    %mul3A_100 = vector.broadcast %dot_general3A_95 : vector<1x3136xf32> to vector<512x3136xf32>
    %mul3A_101 = arith.mulf %mul3A_100, %max3A_67 : vector<512x3136xf32>
    %add3A_102 = vector.broadcast %dot_general3A_92 : vector<1x3136xf32> to vector<512x3136xf32>
    %add3A_103 = arith.addf %add3A_102, %mul3A_101 : vector<512x3136xf32>
    %sub3A_104 = arith.subf %add3A_103, %add3A_99 : vector<512x3136xf32>
    %mul3A_105 = arith.mulf %sub3A_104, %max3A_64 : vector<512x3136xf32>
    %add3A_106 = arith.addf %add3A_99, %mul3A_105 : vector<512x3136xf32>
    %jit3A = arith.constant 0.000000e+00 : f32
    %broadcast_in_dim3A = vector.broadcast %jit3A : f32 to vector<512x3136xf32>
    %select_n3A = arith.select %ge3A_62, %add3A_106, %broadcast_in_dim3A : vector<512x3136xi1>, vector<512x3136xf32>
    %swap3A = arith.constant 0 : index
    %swap3A_107 = arith.constant 0 : index
    %swap3A_108 = vector.load %arg6[%swap3A, %swap3A_107] : memref<512x3136xf32, #tpu.memory_space<vmem>>, vector<512x3136xf32>
    tpu.vector_store %arg6[%swap3A, %swap3A_107], %select_n3A {strides = array<i32>} : memref<512x3136xf32, #tpu.memory_space<vmem>>, vector<512x3136xf32>,
    return
  }
  func.func @transform_0(%arg0: i32) -> (i32, i32) {
    %c0_i32 = arith.constant 0 : i32
    %c0_i32_0 = arith.constant 0 : i32
    return %arg0, %c0_i32 : i32, i32
  }
  func.func @transform_1(%arg0: i32) -> (i32, i32, i32, i32) {
    %c0_i32 = arith.constant 0 : i32
    %c0_i32_0 = arith.constant 0 : i32
    %c0_i32_1 = arith.constant 0 : i32
    %c0_i32_2 = arith.constant 0 : i32
    %c0_i32_3 = arith.constant 0 : i32
    return %c0_i32, %c0_i32_0, %c0_i32_1, %c0_i32_2 : i32, i32, i32, i32
  }
  func.func @transform_2(%arg0: i32) -> (i32, i32) {
    %c0_i32 = arith.constant 0 : i32
    %c0_i32_0 = arith.constant 0 : i32
    %c0_i32_1 = arith.constant 0 : i32
    return %c0_i32, %c0_i32_0 : i32, i32
  }
  func.func @transform_3(%arg0: i32) -> (i32, i32) {
    %c0_i32 = arith.constant 0 : i32
    %c0_i32_0 = arith.constant 0 : i32
    %c0_i32_1 = arith.constant 0 : i32
    return %c0_i32, %c0_i32_0 : i32, i32
  }
  func.func @transform_4(%arg0: i32) -> (i32, i32) {
    %c0_i32 = arith.constant 0 : i32
    %c0_i32_0 = arith.constant 0 : i32
    %c0_i32_1 = arith.constant 0 : i32
    return %c0_i32, %c0_i32_0 : i32, i32
  }
  func.func @transform_5(%arg0: i32) -> (i32, i32) {
    %c0_i32 = arith.constant 0 : i32
    %c0_i32_0 = arith.constant 0 : i32
    return %arg0, %c0_i32 : i32, i32
  }
}

</mosaic_0001>

<sc_bundles>
// kernel: sparse-core-data-format-call.cloned.1.call-start
scs
called_computation_lowered:
.L_overlay_start_0:
0x0: {  	s2 =	sld [smem:$0x3FD9]  }
0x1: {  	s3 =	sld [smem:$0x3FFE];
	_ =	sdelay $0x1  }
0x2: {  	s1 =	srdreg.scid  }
0x3: {  	s0 =	sand.u32 $0x1, s1  }
0x4: {  	s18 =	sshll.u32 s0, $0xA;
	s2 =	sadd.s32 s3, s2  }
0x5: {  	s2 =	sadd.s32 s2, s18  }
0x6: {  	[smem:$0x3FC6] =	sst s2  }
0x7: {  	_ = 	snop  }
0x8: {  	s2 =	sld [smem:$0x3FD0];
	(tm) =	ssettm $0x1  }
0x9: {  	s19 =	sld [smem:$0x3FFB];
	_ =	sdelay $0x3  }
0xa: {  	_ =	strace s19  }
0xb: {  	s3 =	sld [smem:$0x3FFC];
	_ =	sdelay $0x3  }
0xc: {  	_ =	strace s3  }
0xd: {  	s3 =	sld [smem:$0x3FFD];
	_ =	sdelay $0x3  }
0xe: {  	_ =	strace s3  }
0xf: {  	_ =	strace $0x8FFFFFFF  }
0x10: {  	s20 =	sld [smem:$0x3FDB];
	_ =	sdelay $0x1  }
0x11: {  	s4 =	simm.s32 $_scs_section_size  }
0x12: {  	s5 =	simm.s32 $_size__tile_overlayer_lowered;
	s6 =	simm.s32 $_tile_overlayer_lowered  }
0x13: {  	s23 =	simm.s32 $0x1BFF;
	s22 =	sshll.u32 s6, $0x1;
	s3 =	sadd.s32 s4, s20  }
0x14: {  	s7 =	simm.s32 $0x0;
	s21 =	sshll.u32 s5, $0x1;
	s5 =	sadd.s32 s22, s3  }
0x15: {  	[timem:s7], [sflag:s23] =	dma.local [hbm:s5], s21  }
0x16: {  	_ =	swait.ge [sflag:s23], s21  }
0x17: {  	s4 =	ssub.s32 $0x0, s21;
	[sflag:s23] =	ssyncset.done $0x0  }
0x18: {  	[sflag:s23] =	ssyncadd.s32 s4;
	_ =	sdelay $0x1  }
0x19: {  	s24 =	simm.s32 $0x1B8B  }
0x1a: {  	_ =	swait.ge [sflag:s24], $0x1  }
0x1b: {  	[sflag:s24] =	ssyncset.done $0x0  }
0x1c: {  	s26 =	simm.s32 $0x1B8E;
	s25 =	sld [smem:$0x3FFE];
	[sflag:s24] =	ssyncadd.s32 $0xFFFFFFFF  }
0x1d: {  	s27 =	simm.s32 $execute0_lowered;
	[smem:$0x3FD2] =	sst s26  }
0x1e: {  	s5 =	sshll.u32 s27, $0x1;
	_ =	strace $0x80000046;
	[dreg:$0x1] =	wrdreg $0xFFFFFFFF  }
0x1f: {  	s28 =	simm.s32 $_size_execute0_lowered;
	s3 =	sadd.s32 s3, s5;
	[dreg:$0x0] =	wrdreg $0x0  }
0x20: {  	s5 =	sshll.u32 s28, $0x1;
	[dreg:$0x2] =	wrdreg s3  }
0x21: {  	[dreg:$0x3] =	wrdreg s5  }
0x22: {  	[dreg:$0x4] =	wrdreg $0xC0  }
0x23: {  	_ =	task [dreg:s7], $0x5FFFF  }
0x24: {  	[dreg:$0x1] =	wrdreg $0xFFFFFFFF  }
0x25: {  	[dreg:$0x0] =	wrdreg $0x60  }
0x26: {  	[dreg:$0x2] =	wrdreg s25  }
0x27: {  	[dreg:$0x3] =	wrdreg s2  }
0x28: {  	[dreg:$0x4] =	wrdreg $0x9  }
0x29: {  	_ =	task.clear_ibuf [dreg:s7], $0x5FFFF;
	_ =	strace $0x90000046  }
0x2a: {  	s29 =	simm.s32 $0x9;
	_ =	strace $0x80000048  }
0x2b: {  	_ =	swait.ge [sflag:s29], $0x1  }
0x2c: {  	[sflag:s29] =	ssyncadd.s32 $0xFFFFFFFF  }
0x2d: {  	_ =	strace $0x90000048  }
0x2e: {  	_ =	sfence  }
0x2f: {  	s30 =	sld [smem:$0x0];
	_ =	sdelay $0x2  }
0x30: {  	s31 =	sshll.u32 s1, $0xD;
	s1 =	sshrl.u32 s1, $0x2  }
0x31: {  	s3 =	sand.u32 $0x4000, s31;
	s1 =	sadd.s32 s1, s30  }
0x32: {  	s0 =	sor.u32 s3, s0;
	s1 =	sshll.u32 s1, $0x11  }
0x33: {  	s0 =	sor.u32 s1, s0  }
0x34: {  	s0 =	sadd.s32 $0x8F2B, s0  }
0x35: {  	[sflag:s0] =	ssyncadd.remote.s32 $0x1  }
0x36: {  	_ =	sfence.sel $0xFFFF  }
0x37: {  	[dreg:$0x0] =	wrdreg $0xFFFFFFFF;
	(pc) =	sbr.abs _section_cstart, $3  }
0x38: {  	[dreg:$0x1] =	wrdreg $0xFFFFFFFF  }
0x39: {  	_ =	task.clear_ibuf [dreg:s7], $0x2FFFF;
	_ =	strace $0x9FFFFFFF  }
0x3a: {  	(tm) =	ssettm $0x7FFFFFFF  }
0x3b: {  	_ =	shalt  }
tec
execute0_lowered:
.L_overlay_start_1:
0x0: {  	(tag) =	ssettag $0x1  }
0x1: {  	s2 =	stileid.u32;
	s0 =	srdreg.scid  }
0x2: {  	s4 =	rddreg [dreg:$0x0];
	s5 =	simm.s32 $0x1;
	_ =	strace $0x80000047  }
0x3: {  	s30 =	simm.s32 $0x1;
	s31 =	simm.s32 $0x2;
	s19 =	simm.s32 $0x0  }
0x4: {  	s21 =	simm.s32 $0x0;
	s22 =	simm.s32 $0x0;
	s20 =	simm.s32 $0x0  }
0x5: {  	s10 =	simm.s32 $0x0;
	s11 =	simm.s32 $0x0;
	s1 =	sshll.u32 s2, $0x3  }
0x6: {  	s12 =	simm.s32 $0x0;
	s0 =	sshll.u32 s0, $0x4;
	s1 =	sand.u32 $0x38, s1  }
0x7: {  	s13 =	simm.s32 $0x0;
	s0 =	sand.u32 $0x10, s0;
	s3 =	ssub.s32 $0x40, s1  }
0x8: {  	s14 =	simm.s32 $0x0;
	s0 =	sor.u32 s2, s0;
	s29 =	sand.u32 $0x38, s3  }
0x9: {  	s2 =	sshrl.u32 s0, $0x3;
	s0 =	simm.s32 $0x1;
	p0 =	sne.s32 s29, $0x0  }
0xa: {  	s3 =	sshrl.u32 s3, $0x6;
	s0 =	simm.s32 @!p0 $0x0;
	p0 =	sne.s32 s2, $0x3  }
.Ltmp0:
0xb: {  	s0 =	sadd.s32 s0, s3;
	s5 =	simm.s32 @!p0 $0x0;
	(pc) =	sbr.rel .LBB1_1-.Ltmp0, $4  }
0xc: {  	s15 =	simm.s32 $0x0;
	s18 =	simm.s32 $0x0;
	s0 =	sshll.u32 s0, s5  }
0xd: {  	s28 =	simm.s32 $0x0;
	[sflag:s30] =	ssyncpa.u1 $0x0;
	s6 =	smul.u32 $0x14, s0  }
0xe: {  	s7 =	sadd.s32 $0xA00, s4;
	[sflag:s31] =	ssyncpa.u1 $0x0;
	s17 =	smov.u32 s1  }
0xf: {  	s16 =	smov.u32 s2;
	p0 =	por $0x0, $0x0;
	s8 =	sor.u32 $0x1, s6  }
.LBB1_7:
0x10: {  	p1 =	slt.u32 s18, $0x2;
	s0 =	smov.u32 s22  }
0x11: {  	s23 =	smov.u32 s15;
	p0 =	por !p0, !p0;
	p2 =	sgt.s32 @!p1 s22, $0x6  }
0x12: {  	s3 =	sshra.s32 @!p1 s22, $0x1F;
	p3 =	sgt.s32 @!p1 s20, $0x38;
	p2 =	por !p2, p1  }
0x13: {  	s5 =	sshra.s32 @!p1 s20, $0x1F;
	s3 =	sand.u32 @!p1 s3, s22;
	s0 =	simm.s32 @p2 $0x6  }
0x14: {  	p3 =	por !p3, p1;
	s5 =	sand.u32 @!p1 s5, s20;
	s0 =	ssub.s32 @!p1 s0, s3  }
0x15: {  	s22 =	smov.u32 s12;
	s12 =	smov.u32 s16;
	s3 =	sadd.s32 @!p1 $0xFFFFFFFA, s0  }
0x16: {  	s0 =	ssub.s32 @!p1 $0x7, s0;
	p2 =	sgt.s32 @!p1 s3, $0x0;
	s3 =	sshra.s32 @!p1 s21, $0x1F  }
0x17: {  	p2 =	por !p2, p1;
	s4 =	sor.u32 @!p1 s3, s21;
	s3 =	sand.u32 @!p1 s3, s21  }
0x18: {  	s3 =	ssub.s32 @!p1 s4, s3;
	s4 =	smov.u32 s20;
	s0 =	simm.s32 @!p2 $0x0  }
0x19: {  	p2 =	sgt.s32 @!p1 s19, $0x1300;
	s4 =	simm.s32 @p3 $0x38;
	s9 =	sadd.s32 @!p1 $0x1, s3  }
0x1a: {  	p2 =	por !p2, p1;
	s3 =	ssub.s32 @!p1 $0x7, s3;
	s4 =	ssub.s32 @!p1 s4, s5  }
0x1b: {  	p3 =	sgt.s32 @!p1 s9, $0x7;
	s9 =	smov.u32 s19;
	s5 =	sadd.s32 @!p1 $0xFFFFFFC8, s4  }
0x1c: {  	s9 =	simm.s32 @p2 $0x1300;
	p2 =	sgt.s32 @!p1 s5, $0x7;
	s5 =	sshra.s32 @!p1 s19, $0x1F  }
0x1d: {  	s4 =	ssub.s32 @!p1 $0x40, s4;
	s5 =	sand.u32 @!p1 s5, s19;
	p2 =	por !p2, p1  }
0x1e: {  	p3 =	por !p3, p1;
	s5 =	ssub.s32 @!p1 s9, s5;
	s4 =	simm.s32 @!p2 $0x0  }
0x1f: {  	s3 =	simm.s32 @!p3 $0x0;
	s9 =	sadd.s32 @!p1 $0xFFFFED00, s5;
	s0 =	smul.u32 @!p1 s4, s0  }
0x20: {  	s4 =	sadd.s32 $0x100, s14;
	s5 =	ssub.s32 @!p1 $0x1400, s5;
	p2 =	sgt.s32 @!p1 s9, $0xFF  }
0x21: {  	p3 =	sgt.s32 s4, $0x1387;
	s9 =	sadd.s32 $0x8, s15;
	p2 =	por !p2, p1  }
0x22: {  	s0 =	smul.u32 @!p1 s3, s0;
	s23 =	smov.u32 @p3 s9;
	s3 =	sadd.s32 $0x4, s16  }
0x23: {  	s9 =	smov.u32 s16;
	s5 =	simm.s32 @!p2 $0x0;
	p2 =	sgt.s32 s23, $0x6  }
0x24: {  	s4 =	simm.s32 @p3 $0x0;
	s0 =	smul.u32 @!p1 s5, s0;
	s9 =	smov.u32 @p2 s3  }
0x25: {  	s3 =	sadd.s32 $0x40, s17;
	s5 =	smov.u32 s17;
	p3 =	sgt.s32 s9, $0x6  }
0x26: {  	s21 =	smov.u32 s11;
	s11 =	smov.u32 s15;
	s5 =	smov.u32 @p3 s3  }
0x27: {  	s20 =	smov.u32 s13;
	s23 =	simm.s32 @p2 $0x0;
	p2 =	sgt.s32 s5, $0x3F  }
0x28: {  	s13 =	smov.u32 s17;
	s5 =	smov.u32 @p2 s1;
	p2 =	sne.s32 s18, s8  }
.Ltmp1:
0x29: {  	s19 =	smov.u32 s10;
	s10 =	smov.u32 s14;
	(pc) =	sbr.rel @!p2 .LBB1_8-.Ltmp1, $4  }
0x2a: {  	s14 =	smov.u32 s4;
	s0 =	sand.u32 @!p1 $0x3FFFFFFF, s0;
	s3 =	simm.s32 @!p1 $0x2  }
0x2b: {  	s15 =	smov.u32 s23;
	s9 =	smov.u32 @p3 s2;
	_ =	swait.ge @!p1 [sflag:s3], s0  }
0x2c: {  	s0 =	ssub.s32 @!p1 $0x0, s0;
	s16 =	smov.u32 s9;
	[sflag:s3] =	ssyncset.done @!p1 $0x0  }
0x2d: {  	s18 =	sadd.s32 $0x1, s18;
	[sflag:s3] =	ssyncadd.s32 @!p1 s0;
	s17 =	smov.u32 s5  }
.LBB1_1:
0x2e: {  	p1 =	sge.u32 s18, s6  }
0x2f: {  	s0 =	sshrl.u32 @!p1 s15, $0x3  }
0x30: {  	s3 =	sshll.u32 @!p1 s14, $0x3;
	s4 =	sshll.u32 @!p1 s15, $0x7;
	s0 =	smul.u32 @!p1 $0xA000, s0  }
0x31: {  	s5 =	sand.u32 @!p1 $0x7F, s14;
	s3 =	sand.u32 @!p1 $0xFFFFFC00, s3;
	s4 =	sand.u32 @!p1 $0x380, s4  }
0x32: {  	s0 =	sadd.s32 @!p1 s0, s3;
	s3 =	sor.u32 @!p1 s5, s4  }
0x33: {  	s3 =	sor.u32 @!p1 s0, s3  }
0x34: {  	s4 =	smulhi.u32 @!p1 $0xCCCCCCCD, s3  }
0x35: {  	s0 =	smulhi.u32 @!p1 $0xCCCCCCCD, s0  }
0x36: {  	s31 =	sadd.s32 $0xFFFFFFFF, s18;
	s9 =	smul.u32 @!p1 $0x8C00, s17;
	s4 =	sshrl.u32 @!p1 s4, $0xC  }
0x37: {  	s5 =	sxor.u32 @!p1 $0xFFFFFFFF, s18;
	s0 =	sshrl.u32 @!p1 s0, $0xC;
	s4 =	smul.u32 @!p1 $0x1400, s4  }
0x38: {  	s23 =	smul.u32 @!p1 $0x1400, s16;
	s5 =	sshll.u32 @!p1 s5, $0xE;
	s0 =	sand.u32 @!p1 $0x7, s0  }
0x39: {  	s0 =	smul.u32 @!p1 $0x280, s0;
	s3 =	ssub.s32 @!p1 s3, s4;
	s4 =	sadd.s32 @!p1 s7, s9  }
0x3a: {  	s5 =	sand.u32 @!p1 $0x4000, s5;
	s4 =	sadd.s32 @!p1 s23, s4;
	s9 =	sand.u32 @!p1 $0x7, s3  }
0x3b: {  	s3 =	sshrl.u32 @!p1 s3, $0x3;
	s0 =	sadd.s32 @!p1 s0, s4;
	s4 =	sshll.u32 @!p1 s9, $0x12  }
0x3c: {  	s0 =	sadd.s32 @!p1 s3, s0;
	s3 =	sor.u32 @!p1 $0x800, s4;
	s4 =	simm.s32 @!p1 $0x46000  }
0x3d: {  	[tilespmem:s5], [sflag:$0x1] =	stream.strided.gather @!p1 [hbm4b:s0+s3], $0x4000, s4, s3, $0x38;
	[tilespmem:$0x10000] =	vst v63  }
0x3e: {  	p1 =	sge.u32 s31, s6  }
.Ltmp2:
0x3f: {  	_ = 	snop;
	(pc) =	sbr.rel @p1 .LBB1_7-.Ltmp2, $1  }
0x40: {  	_ =	sdelay $0x3  }
0x41: {  	s0 =	simm.s32 $0x1;
	s5 =	simm.s32 $0x1  }
0x42: {  	s4 =	sshll.u32 s18, $0xE;
	p1 =	por $0x0, $0x0;
	s29 =	simm.s32 $0x0  }
0x43: {  	s30 =	simm.s32 $0x0;
	s0 =	simm.s32 @!p0 $0x0;
	_ =	swait.ge [sflag:s5], $0x4000  }
0x44: {  	s26 =	sand.u32 $0x4000, s4;
	s0 =	sshll.u32 s0, $0x10;
	[sflag:s5] =	ssyncset.done $0x0  }
0x45: {  	s23 =	sor.u32 $0x8000, s26;
	s3 =	sshrl.u32 s0, $0x2;
	[sflag:s5] =	ssyncadd.s32 $0xFFFFC000  }
0x46: {  	s24 =	sor.u32 $0x40, s3;
	s0 =	sor.u32 $0x8410, s3;
	s27 =	sadd.s32 $0x8400, s3  }
.LBB1_3:
0x47: {  	v1 =	vld [tilespmem:s24+$0xFFFFFFD0]  }
0x48: {  	v2 =	vld [tilespmem:s24+$0x430]  }
0x49: {  	s3 =	sshll.u32 s30, $0xB;
	v4 =	vld [tilespmem:s24+$0xFFFFFFE0]  }
0x4a: {  	v7 =	vld [tilespmem:s24+$0xFFFFFFF0];
	v0 =	vmov s3  }
0x4b: {  	v8 =	vld [tilespmem:s24+$0x0]  }
0x4c: {  	s9 =	sand.u32 $0x300, s28;
	v9 =	vld [tilespmem:s24+$0x10]  }
0x4d: {  	s4 =	sand.u32 $0x80, s28;
	v10 =	vld [tilespmem:s24+$0x20];
	s3 =	sadd.s32 s9, s26  }
0x4e: {  	v11 =	vld [tilespmem:s24+$0x30];
	s3 =	sadd.s32 s4, s3;
	s4 =	simm.s32 $0x1;
	[tilespmem:s0+$0x60] =	vst v2  }
0x4f: {  	s25 =	sshll.u32 s29, $0x2;
	s4 =	simm.s32 @!p1 $0x0;
	[tilespmem:s0+$0xFFFFFC00] =	vst v1;
	v3 =	vld.idx.msk [tilespmem:v0+s3+$0x400 ss:$0x1], $0xffff  }
0x50: {  	v6 =	vld [tilespmem:s24+$0x3D0];
	s4 =	sshll.u32 s4, $0x9;
	[tilespmem:s0+$0xFFFFFC10] =	vst v4;
	s3 =	sand.u32 $0xFFFFFC00, s25  }
0x51: {  	v5 =	vld [tilespmem:s24+$0x3E0];
	[tilespmem:s0+$0xFFFFFC20] =	vst v7;
	s3 =	sor.u32 s4, s3  }
0x52: {  	[tilespmem:s0+$0xFFFFFC30] =	vst v8;
	v4 =	vld [tilespmem:s24+$0x400];
	s3 =	sshrl.u32 s3, $0x2  }
0x53: {  	[tilespmem:s0+$0xFFFFFC40] =	vst v9;
	v1 =	vld [tilespmem:s24+$0x410];
	s31 =	sadd.s32 s3, s27  }
0x54: {  	s9 =	simm.s32 $0x80;
	[tilespmem:s31+$0x0] =	vst v3;
	v3 =	vld [tilespmem:s24+$0x3F0]  }
0x55: {  	s5 =	sand.u32 $0x300, s9;
	[tilespmem:s0+$0xFFFFFC50] =	vst v10;
	v2 =	vld [tilespmem:s24+$0x420]  }
0x56: {  	v7 =	vld [tilespmem:s24+$0xFFFFFFC0];
	[tilespmem:s0+$0xFFFFFC60] =	vst v11;
	s25 =	smov.u32 s0;
	s4 =	simm.s32 $0x100;
	s3 =	sadd.s32 $0x80, s24  }
.LBB1_4:
0x57: {  	p2 =	sne.s32 s4, $0x380;
	v8 =	vld [tilespmem:s3+$0xFFFFFFD0];
	s9 =	sand.u32 $0x80, s9;
	s5 =	sadd.s32 s5, s26;
	[tilespmem:s25+$0x0] =	vst v6  }
0x58: {  	s5 =	sadd.s32 s9, s5;
	v6 =	vld [tilespmem:s3+$0x430];
	[tilespmem:s25+$0x10] =	vst v5;
	s9 =	smov.u32 s4  }
0x59: {  	v5 =	vld.idx.msk [tilespmem:v0+s5+$0x400 ss:$0x1], $0xffff;
	[tilespmem:s25+$0x20] =	vst v3  }
0x5a: {  	v3 =	vld [tilespmem:s3+$0xFFFFFFE0];
	[tilespmem:s25+$0x30] =	vst v4  }
0x5b: {  	v4 =	vld [tilespmem:s3+$0xFFFFFFF0];
	[tilespmem:s25+$0xFFFFFBF0] =	vst v7  }
0x5c: {  	v7 =	vld [tilespmem:s3+$0x0];
	[tilespmem:s25+$0x40] =	vst v1  }
0x5d: {  	v1 =	vld [tilespmem:s3+$0x10];
	[tilespmem:s25+$0x50] =	vst v2;
	s25 =	sadd.s32 $0x800, s25  }
0x5e: {  	s31 =	sadd.s32 $0x800, s31;
	v2 =	vld [tilespmem:s3+$0x20];
	[tilespmem:s25+$0x60] =	vst v6  }
0x5f: {  	v9 =	vld [tilespmem:s3+$0x30];
	[tilespmem:s31+$0x0] =	vst v5  }
0x60: {  	[tilespmem:s25+$0xFFFFFC00] =	vst v8;
	v6 =	vld [tilespmem:s3+$0x3D0]  }
0x61: {  	[tilespmem:s25+$0xFFFFFC10] =	vst v3;
	v5 =	vld [tilespmem:s3+$0x3E0]  }
.Ltmp3:
0x62: {  	[tilespmem:s25+$0xFFFFFC20] =	vst v4;
	v3 =	vld [tilespmem:s3+$0x3F0];
	(pc) =	sbr.rel @p2 .LBB1_4-.Ltmp3, $4  }
0x63: {  	[tilespmem:s25+$0xFFFFFC30] =	vst v7;
	v4 =	vld [tilespmem:s3+$0x400]  }
0x64: {  	[tilespmem:s25+$0xFFFFFC40] =	vst v1;
	v1 =	vld [tilespmem:s3+$0x410]  }
0x65: {  	[tilespmem:s25+$0xFFFFFC50] =	vst v2;
	v2 =	vld [tilespmem:s3+$0x420]  }
0x66: {  	s4 =	sadd.s32 $0x80, s4;
	s5 =	sand.u32 $0x300, s9;
	v7 =	vld [tilespmem:s3+$0xFFFFFFC0];
	[tilespmem:s25+$0xFFFFFC60] =	vst v9;
	s3 =	sadd.s32 $0x80, s3  }
0x67: {  	[tilespmem:s25+$0x0] =	vst v6  }
0x68: {  	[tilespmem:s25+$0x10] =	vst v5  }
0x69: {  	v49 =	vld [tilespmem:s3+$0x430];
	[tilespmem:s25+$0x20] =	vst v3  }
0x6a: {  	v50 =	vld [tilespmem:s3+$0xFFFFFFD0];
	[tilespmem:s25+$0x30] =	vst v4  }
0x6b: {  	v51 =	vld [tilespmem:s3+$0xFFFFFFE0];
	[tilespmem:s25+$0x40] =	vst v1  }
0x6c: {  	v52 =	vld [tilespmem:s3+$0xFFFFFFF0];
	[tilespmem:s25+$0x50] =	vst v2  }
0x6d: {  	v53 =	vld [tilespmem:s3+$0x0];
	[tilespmem:s25+$0xFFFFFBF0] =	vst v7;
	s25 =	sadd.s32 $0x800, s25  }
0x6e: {  	v54 =	vld [tilespmem:s3+$0x10];
	[tilespmem:s25+$0x60] =	vst v49  }
0x6f: {  	v55 =	vld [tilespmem:s3+$0x20];
	[tilespmem:s25+$0xFFFFFC00] =	vst v50  }
0x70: {  	v56 =	vld [tilespmem:s3+$0x30];
	[tilespmem:s25+$0xFFFFFC10] =	vst v51  }
0x71: {  	v57 =	vld [tilespmem:s3+$0x3D0];
	[tilespmem:s25+$0xFFFFFC20] =	vst v52  }
0x72: {  	v58 =	vld [tilespmem:s3+$0x3E0];
	[tilespmem:s25+$0xFFFFFC30] =	vst v53  }
0x73: {  	v59 =	vld [tilespmem:s3+$0x3F0];
	[tilespmem:s25+$0xFFFFFC40] =	vst v54  }
0x74: {  	v60 =	vld [tilespmem:s3+$0x400];
	[tilespmem:s25+$0xFFFFFC50] =	vst v55  }
0x75: {  	v61 =	vld [tilespmem:s3+$0xFFFFFFC0];
	[tilespmem:s25+$0xFFFFFC60] =	vst v56  }
0x76: {  	s4 =	sand.u32 $0x80, s9;
	s5 =	sadd.s32 s5, s26;
	v62 =	vld [tilespmem:s3+$0x410];
	[tilespmem:s25+$0x0] =	vst v57  }
0x77: {  	v63 =	vld [tilespmem:s3+$0x420];
	s30 =	sadd.s32 $0x1, s30;
	s4 =	sadd.s32 s4, s5;
	[tilespmem:s25+$0x10] =	vst v58  }
0x78: {  	p2 =	sne.s32 s30, $0x8;
	v0 =	vld.idx.msk [tilespmem:v0+s4+$0x400 ss:$0x1], $0xffff;
	[tilespmem:s25+$0x20] =	vst v59  }
.Ltmp4:
0x79: {  	[tilespmem:s25+$0x30] =	vst v60;
	(pc) =	sbr.rel @p2 .LBB1_3-.Ltmp4, $4  }
0x7a: {  	[tilespmem:s25+$0xFFFFFBF0] =	vst v61  }
0x7b: {  	[tilespmem:s25+$0x40] =	vst v62  }
0x7c: {  	s31 =	sadd.s32 $0x800, s31;
	s24 =	sadd.s32 $0x800, s24;
	[tilespmem:s25+$0x50] =	vst v63  }
0x7d: {  	s29 =	sadd.s32 $0x80, s29;
	p1 =	por !p1, !p1;
	s0 =	sadd.s32 $0x80, s0;
	[tilespmem:s31+$0x0] =	vst v0  }
0x7e: {  	s0 =	sshrl.u32 s13, $0x3  }
0x7f: {  	s3 =	sshll.u32 s10, $0x3;
	s4 =	sshll.u32 s13, $0x7;
	s5 =	sand.u32 $0x7F, s10  }
0x80: {  	p1 =	sgt.s32 s12, $0x6;
	s26 =	sshra.s32 s12, $0x1F;
	s29 =	sshra.s32 s13, $0x1F  }
0x81: {  	s0 =	smul.u32 $0xA000, s0;
	s25 =	sand.u32 $0x380, s4;
	s4 =	smov.u32 s12  }
0x82: {  	s3 =	sand.u32 $0xFFFFFC00, s3;
	s4 =	simm.s32 @!p1 $0x6;
	p1 =	sgt.s32 s13, $0x38  }
0x83: {  	s0 =	sadd.s32 s0, s3;
	s3 =	sor.u32 s25, s5;
	s5 =	sand.u32 s26, s12  }
0x84: {  	s25 =	sshra.s32 s11, $0x1F;
	s26 =	sshra.s32 s10, $0x1F;
	s3 =	sor.u32 s0, s3  }
0x85: {  	s4 =	ssub.s32 s4, s5;
	s5 =	smov.u32 s13;
	s0 =	smulhi.u32 $0xCCCCCCCD, s0  }
0x86: {  	s27 =	sor.u32 s25, s11;
	s25 =	sand.u32 s25, s11;
	s9 =	smulhi.u32 $0xCCCCCCCD, s3  }
0x87: {  	s24 =	sadd.s32 $0xFFFFFFFA, s4;
	s5 =	simm.s32 @!p1 $0x38;
	s4 =	ssub.s32 $0x7, s4  }
0x88: {  	p1 =	sgt.s32 s24, $0x0;
	s24 =	ssub.s32 s27, s25;
	s25 =	sand.u32 s29, s13  }
0x89: {  	s0 =	sshrl.u32 s0, $0xC;
	s29 =	smul.u32 $0x46000, s12;
	s9 =	sshrl.u32 s9, $0xC  }
0x8a: {  	s4 =	simm.s32 @p1 $0x0;
	s5 =	ssub.s32 s5, s25;
	s30 =	sadd.s32 $0x1, s24  }
0x8b: {  	s24 =	ssub.s32 $0x7, s24;
	s25 =	smov.u32 s10;
	s0 =	sand.u32 $0x3F, s0  }
0x8c: {  	s9 =	smul.u32 $0x1400, s9;
	p1 =	sgt.s32 s30, $0x7;
	s31 =	sadd.s32 $0xFFFFFFC8, s5  }
0x8d: {  	s5 =	ssub.s32 $0x40, s5;
	s24 =	simm.s32 @p1 $0x0;
	p1 =	sgt.s32 s31, $0x7  }
0x8e: {  	s30 =	smul.u32 $0xA000, s11;
	s5 =	simm.s32 @p1 $0x0;
	p1 =	sgt.s32 s10, $0x1300  }
0x8f: {  	s4 =	smul.u32 s5, s4;
	s25 =	simm.s32 @!p1 $0x1300;
	s5 =	sand.u32 s26, s10  }
0x90: {  	s0 =	smul.u32 $0x280, s0;
	s31 =	rddreg [dreg:$0x1];
	s5 =	ssub.s32 s25, s5  }
0x91: {  	s3 =	ssub.s32 s3, s9;
	s4 =	smul.u32 s24, s4;
	s27 =	sadd.s32 $0xFFFFED00, s5  }
0x92: {  	s5 =	ssub.s32 $0x1400, s5;
	s24 =	sadd.s32 s31, s29;
	p1 =	sgt.s32 s27, $0xFF  }
.Ltmp5:
0x93: {  	s31 =	simm.s32 $0x50000;
	s5 =	simm.s32 @p1 $0x0;
	(pc) =	sbr.rel .LBB1_7-.Ltmp5, $4  }
0x94: {  	s26 =	sadd.s32 s30, s24;
	s27 =	sand.u32 $0x7, s3;
	s4 =	smul.u32 s5, s4  }
0x95: {  	s3 =	sshrl.u32 s3, $0x3;
	s0 =	sadd.s32 s0, s26;
	s29 =	sshll.u32 s27, $0x12  }
0x96: {  	s0 =	sadd.s32 s3, s0;
	s30 =	sor.u32 $0x800, s29;
	s4 =	sand.u32 $0x3FFFFFFF, s4  }
0x97: {  	[hbm4b:s0+s30] =	stream.strided.scatter [tilespmem:s23], [sflag:$0x2], s4, s31, s30, $0x38;
	[tilespmem:$0x10000] =	vst v63  }
.LBB1_8:
0x98: {  	_ =	sfence.sel $0x180000  }
0x99: {  	s0 =	simm.s32 $0x1;
	[bflag:$0x0] =	sbarrier.arrive $0xFFFF  }
0x9a: {  	s30 =	simm.s32 $0x2;
	[sflag:s0] =	ssyncpa.u1 $0x1  }
0x9b: {  	[sflag:s30] =	ssyncpa.u1 $0x1  }
0x9c: {  	_ =	strace $0x90000047  }
0x9d: {  	s31 =	stileid.u32;
	[bflag:$0x2] =	sbarrier.arrive $0xFFFF  }
0x9e: {  	p0 =	sne.s32 s31, $0x0;
	s0 =	rddreg [dreg:$0x2]  }
0x9f: {  	s0 =	sadd.s32 @!p0 $0x100000, s0  }
0xa0: {  	[sflag:s0] =	ssyncadd.tile.s32 @!p0 $0x1;
	_ =	shalt  }
.Lfunc_end1:
_tile_overlayer_lowered:
.L_overlay_start_2:
0xa1: {  	(tag) =	ssettag $0x2  }
0xa2: {  	s0 =	rddreg [dreg:$0x0];
	s2 =	stileid.u32  }
0xa3: {  	s1 =	rddreg [dreg:$0x1];
	p0 =	sne.s32 s2, $0x0  }
0xa4: {  	s3 =	rddreg [dreg:$0x2];
	[bflag:$0x3] =	sbarrier.arrive $0xFFFF;
	s2 =	simm.s32 @!p0 $0x1C01  }
0xa5: {  	[timem:s3], [sflag:s2] =	dma.local @!p0 [hbm:s0], s1  }
0xa6: {  	s0 =	simm.s32 @!p0 $0x1  }
0xa7: {  	_ =	swait.ge @!p0 [sflag:s0], s1  }
0xa8: {  	s1 =	ssub.s32 @!p0 $0x0, s1;
	[sflag:s0] =	ssyncset.done @!p0 $0x0  }
0xa9: {  	[sflag:s0] =	ssyncadd.s32 @!p0 s1  }
0xaa: {  	[bflag:$0x3] =	sbarrier.arrive $0xFFFF  }
0xab: {  	_ =	shalt  }

</sc_bundles>
